<compile_context>
chip_gen: v7x
topology: tpu7x:2x2x1
jax: 0.10.2.dev20260603
libtpu: 0.0.44.dev20260713+nightly
codegen_flags: <defaults>
</compile_context>

<pallas_src>
import jax
import jax.numpy as jnp
from jax import lax
from jax.experimental import pallas as pl
from jax.experimental.pallas import tpu as pltpu
from jax.experimental.pallas import tpu_sc as plsc

_B, _L = 16384, 200
_SUB = 128
_D = 4 * _SUB
_N = _B * _L
_V = 5 * 5 * 128 * 128
_NC, _NS = 2, 16
_NW = _NC * _NS
_PER_W = _N // _NW
_T = 80
_STEPS = _PER_W // _T
_G = 64
_NG = _STEPS // _G


def _sc_body(idx_h, tab_h, out_h,
             ix0, ix1, buf0, buf1,
             gs0, gs1, ws0, ws1, isem):
    wid = lax.axis_index("s") * _NC + lax.axis_index("c")
    base = wid * _PER_W
    ix = (ix0, ix1)
    bufs = (buf0, buf1)
    gsem = (gs0, gs1)
    wsem = (ws0, ws1)

    def fire_idx(g, slot):
        pltpu.make_async_copy(
            idx_h.at[wid, pl.ds(g * _G, _G)], ix[slot], isem).start()

    def wait_idx(slot):
        pltpu.make_async_copy(
            idx_h.at[wid, pl.ds(0, _G)], ix[slot], isem).wait()

    def fire_g(i, slot, gslot):
        pos = lax.rem(i, _G)
        pltpu.make_async_copy(
            tab_h.at[ix[gslot].at[pos]], bufs[slot], gsem[slot]).start()

    def wait_g(slot, gslot):
        pltpu.make_async_copy(
            tab_h.at[ix[gslot].at[0]], bufs[slot], gsem[slot]).wait()

    def fire_w(i, slot):
        off = base + i * _T
        pltpu.make_async_copy(
            bufs[slot], out_h.at[pl.ds(off, _T)], wsem[slot]).start()

    def wait_w(slot):
        pltpu.make_async_copy(
            bufs[slot], out_h.at[pl.ds(0, _T)], wsem[slot]).wait()

    fire_idx(0, 0)

    def step(i, carry):
        g = lax.div(i, _G)
        pos = lax.rem(i, _G)
        gslot_i = lax.rem(g, 2)

        @pl.when(jnp.logical_and(i < _STEPS, pos == 0))
        def _():
            @pl.when(gslot_i == 0)
            def _():
                wait_idx(0)

            @pl.when(gslot_i == 1)
            def _():
                wait_idx(1)

        @pl.when(jnp.logical_and(pos == 1, g + 1 < _NG))
        def _():
            @pl.when(gslot_i == 0)
            def _():
                fire_idx(g + 1, 1)

            @pl.when(gslot_i == 1)
            def _():
                fire_idx(g + 1, 0)

        @pl.when(i < _STEPS)
        def _():
            for slot in range(2):
                @pl.when(lax.rem(i, 2) == slot)
                def _(slot=slot):
                    @pl.when(i >= 2)
                    def _():
                        wait_w(slot)

                    @pl.when(gslot_i == 0)
                    def _():
                        fire_g(i, slot, 0)

                    @pl.when(gslot_i == 1)
                    def _():
                        fire_g(i, slot, 1)

        @pl.when(i >= 1)
        def _():
            ip = i - 1
            gslot_p = lax.rem(lax.div(ip, _G), 2)
            for slot in range(2):
                @pl.when(lax.rem(ip, 2) == slot)
                def _(slot=slot):
                    @pl.when(gslot_p == 0)
                    def _():
                        wait_g(slot, 0)

                    @pl.when(gslot_p == 1)
                    def _():
                        wait_g(slot, 1)

                    fire_w(ip, slot)

        return carry

    lax.fori_loop(0, _STEPS + 1, step, 0)

    wait_w(_STEPS % 2)
    wait_w((_STEPS + 1) % 2)


@jax.jit
def _run(idx, W_r, W_p, W_r_vel, W_p_vel):
    shape5 = (5, 5, 128, 128, _SUB)
    tab = jnp.concatenate([
        jnp.broadcast_to(W_r[:, None, None, None, :], shape5),
        jnp.broadcast_to(W_p[None, :, None, None, :], shape5),
        jnp.broadcast_to(W_r_vel[None, None, :, None, :], shape5),
        jnp.broadcast_to(W_p_vel[None, None, None, :, :], shape5),
    ], axis=-1).reshape(_V, _D)

    kern = pl.kernel(
        _sc_body,
        out_type=jax.ShapeDtypeStruct((_N, _D), jnp.float32),
        mesh=plsc.VectorSubcoreMesh(core_axis_name="c", subcore_axis_name="s"),
        scratch_types=[
            pltpu.VMEM((_G, _T), jnp.int32),
            pltpu.VMEM((_G, _T), jnp.int32),
            pltpu.VMEM((_T, _D), jnp.float32),
            pltpu.VMEM((_T, _D), jnp.float32),
            pltpu.SemaphoreType.DMA,
            pltpu.SemaphoreType.DMA,
            pltpu.SemaphoreType.DMA,
            pltpu.SemaphoreType.DMA,
            pltpu.SemaphoreType.DMA,
        ],
    )
    return kern(idx, tab)


def kernel(r, p, r_vel, p_vel, W_r, W_p, W_r_vel, W_p_vel):
    r = r.astype(jnp.int32)
    p = p.astype(jnp.int32)
    rv = r_vel.astype(jnp.int32)
    pv = p_vel.astype(jnp.int32)
    idx = (((r * 5 + p) * 128 + rv) * 128 + pv).reshape(_NW, _STEPS, _T)
    out = _run(idx, W_r, W_p, W_r_vel, W_p_vel)
    return out.reshape(_B, _L, _D)

# --- scband reference (transcript-rebuilt; emitter-appended) ---
"""Pipeline reference for scband-condition-embedding-21990232555914 (READ-ONLY COPY).

The authoritative reference and input builder live on the scoring server;
editing this copy changes nothing except your own understanding.
"""

import jax, jax.numpy as jnp
import numpy as np

OUT_DIM = 512
SUB = OUT_DIM // 4
B, L = 16384, 200

def setup_inputs(seed: int = 0) -> dict:
    key = jax.random.key(seed)
    k1, k2, k3, k4, k5, k6, k7, k8 = jax.random.split(key, 8)
    r = jax.random.randint(k1, (B, L), 0, 5, dtype=jnp.int64 if jax.config.jax_enable_x64 else jnp.int32)
    p = jax.random.randint(k2, (B, L), 0, 5, dtype=r.dtype)
    r_vel = jax.random.randint(k3, (B, L), 0, 128, dtype=r.dtype)
    p_vel = jax.random.randint(k4, (B, L), 0, 128, dtype=r.dtype)
    W_r = jax.random.normal(k5, (5, SUB), dtype=jnp.float32)
    W_p = jax.random.normal(k6, (5, SUB), dtype=jnp.float32)
    W_r_vel = jax.random.normal(k7, (128, SUB), dtype=jnp.float32)
    W_p_vel = jax.random.normal(k8, (128, SUB), dtype=jnp.float32)
    return {"r": r, "p": p, "r_vel": r_vel, "p_vel": p_vel,
            "W_r": W_r, "W_p": W_p, "W_r_vel": W_r_vel, "W_p_vel": W_p_vel}

def reference(r, p, r_vel, p_vel, W_r, W_p, W_r_vel, W_p_vel):
    x1 = jnp.take(W_r, r, axis=0)
    x2 = jnp.take(W_p, p, axis=0)
    x3 = jnp.take(W_r_vel, r_vel, axis=0)
    x4 = jnp.take(W_p_vel, p_vel, axis=0)
    return jnp.concatenate((x1, x2, x3, x4), axis=-1)

if __name__ == "__main__":
    import jax
    _d = setup_inputs()
    print(jax.jit(kernel)(*tuple(_d.values())))

</pallas_src>

<mosaic_0001>
#map = affine_map<(d0, d1) -> (0, 0, 0)>
#map1 = affine_map<(d0, d1) -> (0, 0)>
module attributes {stable_mosaic.version = 14 : i64} {
  func.func @_sc_body(%arg0: i32, %arg1: i32, %arg2: memref<32x1280x80xi32, #tpu.memory_space<hbm>>, %arg3: memref<409600x512xf32, #tpu.memory_space<hbm>>, %arg4: memref<3276800x512xf32, #tpu.memory_space<hbm>>, %arg5: memref<64x80xi32, #tpu.memory_space<vmem>>, %arg6: memref<64x80xi32, #tpu.memory_space<vmem>>, %arg7: memref<80x512xf32, #tpu.memory_space<vmem>>, %arg8: memref<80x512xf32, #tpu.memory_space<vmem>>, %arg9: memref<!tpu.dma_semaphore, #tpu.memory_space<semaphore_mem>>, %arg10: memref<!tpu.dma_semaphore, #tpu.memory_space<semaphore_mem>>, %arg11: memref<!tpu.dma_semaphore, #tpu.memory_space<semaphore_mem>>, %arg12: memref<!tpu.dma_semaphore, #tpu.memory_space<semaphore_mem>>, %arg13: memref<!tpu.dma_semaphore, #tpu.memory_space<semaphore_mem>>) attributes {dimension_semantics = [#tpu.dimension_semantics<core_parallel>, #tpu.dimension_semantics<subcore_parallel>], iteration_bounds = array<i64: 2, 16>, scalar_prefetch = 0 : i64, scratch_operands = 9 : i64, tpu.core_type = #tpu.core_type<sc_vector_subcore>, window_params = [{transform_indices = #map}, {transform_indices = #map1}, {transform_indices = #map1}]} {
    %mul3A = arith.constant 2 : i32
    %mul3A_0 = arith.muli %arg1, %mul3A : i32
    %add3A = arith.addi %mul3A_0, %arg0 : i32
    %mul3A_1 = arith.constant 102400 : i32
    %mul3A_2 = arith.muli %add3A, %mul3A_1 : i32
    %dma_start3A = arith.constant 0 : i32
    %dma_start3A_3 = arith.constant 0 : i32
    %dma_start3A_4 = tpu.memref_slice %arg2[%add3A, %dma_start3A, %dma_start3A_3] : memref<32x1280x80xi32, #tpu.memory_space<hbm>> -> memref<1x64x80xi32, #tpu.memory_space<hbm>>
    %dma_start3A_5 = tpu.memref_squeeze %dma_start3A_4 : memref<1x64x80xi32, #tpu.memory_space<hbm>> -> memref<64x80xi32, #tpu.memory_space<hbm>>
    %dma_start3A_6 = arith.constant 0 : i32
    %dma_start3A_7 = arith.constant 0 : i32
    %dma_start3A_8 = tpu.memref_slice %arg2[%add3A, %dma_start3A_6, %dma_start3A_7] : memref<32x1280x80xi32, #tpu.memory_space<hbm>> -> memref<1x64x80xi32, #tpu.memory_space<hbm>>
    %dma_start3A_9 = tpu.memref_squeeze %dma_start3A_8 : memref<1x64x80xi32, #tpu.memory_space<hbm>> -> memref<64x80xi32, #tpu.memory_space<hbm>>
    tpu.enqueue_dma source(%dma_start3A_9 : memref<64x80xi32, #tpu.memory_space<hbm>>) target(%arg5 : memref<64x80xi32, #tpu.memory_space<vmem>>) target_semaphore(%arg13 : memref<!tpu.dma_semaphore, #tpu.memory_space<semaphore_mem>>)
    %scan3A = arith.constant 0 : i32
    %scan3A_10 = arith.constant 0 : i32
    %scan3A_11 = arith.constant 1281 : i32
    %scan3A_12 = arith.addi %scan3A_10, %scan3A_11 : i32
    %scan3A_13 = arith.constant 1 : i32
    scf.for %scan3A_26 = %scan3A_10 to %scan3A_12 step %scan3A_13  : i32 {
      %div3A = arith.constant 64 : i32
      %div3A_27 = arith.divsi %scan3A_26, %div3A : i32
      %rem3A = arith.constant 64 : i32
      %rem3A_28 = arith.remsi %scan3A_26, %rem3A : i32
      %rem3A_29 = arith.constant 2 : i32
      %rem3A_30 = arith.remsi %div3A_27, %rem3A_29 : i32
      %lt3A = arith.constant 1280 : i32
      %lt3A_31 = arith.cmpi slt, %scan3A_26, %lt3A : i32
      %eq3A = arith.constant 0 : i32
      %eq3A_32 = arith.cmpi eq, %rem3A_28, %eq3A : i32
      %and3A = arith.andi %lt3A_31, %eq3A_32 : i1
      %convert_element_type3A = arith.extui %and3A : i1 to i32
      %cond3A = arith.constant 0 : i32
      %cond3A_33 = arith.cmpi ne, %convert_element_type3A, %cond3A : i32
      scf.if %cond3A_33 {
        %eq3A_53 = arith.constant 0 : i32
        %eq3A_54 = arith.cmpi eq, %rem3A_30, %eq3A_53 : i32
        %convert_element_type3A_55 = arith.extui %eq3A_54 : i1 to i32
        %cond3A_56 = arith.constant 0 : i32
        %cond3A_57 = arith.cmpi ne, %convert_element_type3A_55, %cond3A_56 : i32
        scf.if %cond3A_57 {
          %dma_wait3A_63 = arith.constant 0 : i32
          %dma_wait3A_64 = arith.constant 0 : i32
          %dma_wait3A_65 = tpu.memref_slice %arg2[%add3A, %dma_wait3A_63, %dma_wait3A_64] : memref<32x1280x80xi32, #tpu.memory_space<hbm>> -> memref<1x64x80xi32, #tpu.memory_space<hbm>>
          %dma_wait3A_66 = tpu.memref_squeeze %dma_wait3A_65 : memref<1x64x80xi32, #tpu.memory_space<hbm>> -> memref<64x80xi32, #tpu.memory_space<hbm>>
          %dma_wait3A_67 = arith.constant 0 : i32
          %dma_wait3A_68 = arith.constant 0 : i32
          %dma_wait3A_69 = tpu.memref_slice %arg2[%add3A, %dma_wait3A_67, %dma_wait3A_68] : memref<32x1280x80xi32, #tpu.memory_space<hbm>> -> memref<1x64x80xi32, #tpu.memory_space<hbm>>
          %dma_wait3A_70 = tpu.memref_squeeze %dma_wait3A_69 : memref<1x64x80xi32, #tpu.memory_space<hbm>> -> memref<64x80xi32, #tpu.memory_space<hbm>>
          tpu.wait_dma2 semaphore(%arg13 : memref<!tpu.dma_semaphore, #tpu.memory_space<semaphore_mem>>) src(%dma_wait3A_70 : memref<64x80xi32, #tpu.memory_space<hbm>>) dst(%arg5 : memref<64x80xi32, #tpu.memory_space<vmem>>)
        } else {
        }
        %eq3A_58 = arith.constant 1 : i32
        %eq3A_59 = arith.cmpi eq, %rem3A_30, %eq3A_58 : i32
        %convert_element_type3A_60 = arith.extui %eq3A_59 : i1 to i32
        %cond3A_61 = arith.constant 0 : i32
        %cond3A_62 = arith.cmpi ne, %convert_element_type3A_60, %cond3A_61 : i32
        scf.if %cond3A_62 {
          %dma_wait3A_63 = arith.constant 0 : i32
          %dma_wait3A_64 = arith.constant 0 : i32
          %dma_wait3A_65 = tpu.memref_slice %arg2[%add3A, %dma_wait3A_63, %dma_wait3A_64] : memref<32x1280x80xi32, #tpu.memory_space<hbm>> -> memref<1x64x80xi32, #tpu.memory_space<hbm>>
          %dma_wait3A_66 = tpu.memref_squeeze %dma_wait3A_65 : memref<1x64x80xi32, #tpu.memory_space<hbm>> -> memref<64x80xi32, #tpu.memory_space<hbm>>
          %dma_wait3A_67 = arith.constant 0 : i32
          %dma_wait3A_68 = arith.constant 0 : i32
          %dma_wait3A_69 = tpu.memref_slice %arg2[%add3A, %dma_wait3A_67, %dma_wait3A_68] : memref<32x1280x80xi32, #tpu.memory_space<hbm>> -> memref<1x64x80xi32, #tpu.memory_space<hbm>>
          %dma_wait3A_70 = tpu.memref_squeeze %dma_wait3A_69 : memref<1x64x80xi32, #tpu.memory_space<hbm>> -> memref<64x80xi32, #tpu.memory_space<hbm>>
          tpu.wait_dma2 semaphore(%arg13 : memref<!tpu.dma_semaphore, #tpu.memory_space<semaphore_mem>>) src(%dma_wait3A_70 : memref<64x80xi32, #tpu.memory_space<hbm>>) dst(%arg6 : memref<64x80xi32, #tpu.memory_space<vmem>>)
        } else {
        }
      } else {
      }
      %eq3A_34 = arith.constant 1 : i32
      %eq3A_35 = arith.cmpi eq, %rem3A_28, %eq3A_34 : i32
      %add3A_36 = arith.constant 1 : i32
      %add3A_37 = arith.addi %div3A_27, %add3A_36 : i32
      %lt3A_38 = arith.constant 20 : i32
      %lt3A_39 = arith.cmpi slt, %add3A_37, %lt3A_38 : i32
      %and3A_40 = arith.andi %eq3A_35, %lt3A_39 : i1
      %convert_element_type3A_41 = arith.extui %and3A_40 : i1 to i32
      %cond3A_42 = arith.constant 0 : i32
      %cond3A_43 = arith.cmpi ne, %convert_element_type3A_41, %cond3A_42 : i32
      scf.if %cond3A_43 {
        %eq3A_53 = arith.constant 0 : i32
        %eq3A_54 = arith.cmpi eq, %rem3A_30, %eq3A_53 : i32
        %convert_element_type3A_55 = arith.extui %eq3A_54 : i1 to i32
        %cond3A_56 = arith.constant 0 : i32
        %cond3A_57 = arith.cmpi ne, %convert_element_type3A_55, %cond3A_56 : i32
        scf.if %cond3A_57 {
          %add3A_63 = arith.constant 1 : i32
          %add3A_64 = arith.addi %div3A_27, %add3A_63 : i32
          %mul3A_65 = arith.constant 64 : i32
          %mul3A_66 = arith.muli %add3A_64, %mul3A_65 : i32
          %dma_start3A_67 = arith.constant 0 : i32
          %dma_start3A_68 = tpu.memref_slice %arg2[%add3A, %mul3A_66, %dma_start3A_67] : memref<32x1280x80xi32, #tpu.memory_space<hbm>> -> memref<1x64x80xi32, #tpu.memory_space<hbm>>
          %dma_start3A_69 = tpu.memref_squeeze %dma_start3A_68 : memref<1x64x80xi32, #tpu.memory_space<hbm>> -> memref<64x80xi32, #tpu.memory_space<hbm>>
          %dma_start3A_70 = arith.constant 0 : i32
          %dma_start3A_71 = tpu.memref_slice %arg2[%add3A, %mul3A_66, %dma_start3A_70] : memref<32x1280x80xi32, #tpu.memory_space<hbm>> -> memref<1x64x80xi32, #tpu.memory_space<hbm>>
          %dma_start3A_72 = tpu.memref_squeeze %dma_start3A_71 : memref<1x64x80xi32, #tpu.memory_space<hbm>> -> memref<64x80xi32, #tpu.memory_space<hbm>>
          tpu.enqueue_dma source(%dma_start3A_72 : memref<64x80xi32, #tpu.memory_space<hbm>>) target(%arg6 : memref<64x80xi32, #tpu.memory_space<vmem>>) target_semaphore(%arg13 : memref<!tpu.dma_semaphore, #tpu.memory_space<semaphore_mem>>)
        } else {
        }
        %eq3A_58 = arith.constant 1 : i32
        %eq3A_59 = arith.cmpi eq, %rem3A_30, %eq3A_58 : i32
        %convert_element_type3A_60 = arith.extui %eq3A_59 : i1 to i32
        %cond3A_61 = arith.constant 0 : i32
        %cond3A_62 = arith.cmpi ne, %convert_element_type3A_60, %cond3A_61 : i32
        scf.if %cond3A_62 {
          %add3A_63 = arith.constant 1 : i32
          %add3A_64 = arith.addi %div3A_27, %add3A_63 : i32
          %mul3A_65 = arith.constant 64 : i32
          %mul3A_66 = arith.muli %add3A_64, %mul3A_65 : i32
          %dma_start3A_67 = arith.constant 0 : i32
          %dma_start3A_68 = tpu.memref_slice %arg2[%add3A, %mul3A_66, %dma_start3A_67] : memref<32x1280x80xi32, #tpu.memory_space<hbm>> -> memref<1x64x80xi32, #tpu.memory_space<hbm>>
          %dma_start3A_69 = tpu.memref_squeeze %dma_start3A_68 : memref<1x64x80xi32, #tpu.memory_space<hbm>> -> memref<64x80xi32, #tpu.memory_space<hbm>>
          %dma_start3A_70 = arith.constant 0 : i32
          %dma_start3A_71 = tpu.memref_slice %arg2[%add3A, %mul3A_66, %dma_start3A_70] : memref<32x1280x80xi32, #tpu.memory_space<hbm>> -> memref<1x64x80xi32, #tpu.memory_space<hbm>>
          %dma_start3A_72 = tpu.memref_squeeze %dma_start3A_71 : memref<1x64x80xi32, #tpu.memory_space<hbm>> -> memref<64x80xi32, #tpu.memory_space<hbm>>
          tpu.enqueue_dma source(%dma_start3A_72 : memref<64x80xi32, #tpu.memory_space<hbm>>) target(%arg5 : memref<64x80xi32, #tpu.memory_space<vmem>>) target_semaphore(%arg13 : memref<!tpu.dma_semaphore, #tpu.memory_space<semaphore_mem>>)
        } else {
        }
      } else {
      }
      %lt3A_44 = arith.constant 1280 : i32
      %lt3A_45 = arith.cmpi slt, %scan3A_26, %lt3A_44 : i32
      %convert_element_type3A_46 = arith.extui %lt3A_45 : i1 to i32
      %cond3A_47 = arith.constant 0 : i32
      %cond3A_48 = arith.cmpi ne, %convert_element_type3A_46, %cond3A_47 : i32
      scf.if %cond3A_48 {
        %rem3A_53 = arith.constant 2 : i32
        %rem3A_54 = arith.remsi %scan3A_26, %rem3A_53 : i32
        %eq3A_55 = arith.constant 0 : i32
        %eq3A_56 = arith.cmpi eq, %rem3A_54, %eq3A_55 : i32
        %convert_element_type3A_57 = arith.extui %eq3A_56 : i1 to i32
        %cond3A_58 = arith.constant 0 : i32
        %cond3A_59 = arith.cmpi ne, %convert_element_type3A_57, %cond3A_58 : i32
        scf.if %cond3A_59 {
          %ge3A_67 = arith.constant 2 : i32
          %ge3A_68 = arith.cmpi sge, %scan3A_26, %ge3A_67 : i32
          %convert_element_type3A_69 = arith.extui %ge3A_68 : i1 to i32
          %cond3A_70 = arith.constant 0 : i32
          %cond3A_71 = arith.cmpi ne, %convert_element_type3A_69, %cond3A_70 : i32
          scf.if %cond3A_71 {
            %dma_wait3A_82 = arith.constant 0 : i32
            %dma_wait3A_83 = arith.constant 0 : i32
            %dma_wait3A_84 = tpu.memref_slice %arg4[%dma_wait3A_82, %dma_wait3A_83] : memref<3276800x512xf32, #tpu.memory_space<hbm>> -> memref<80x512xf32, #tpu.memory_space<hbm>>
            %dma_wait3A_85 = arith.constant 0 : i32
            %dma_wait3A_86 = arith.constant 0 : i32
            %dma_wait3A_87 = tpu.memref_slice %arg4[%dma_wait3A_85, %dma_wait3A_86] : memref<3276800x512xf32, #tpu.memory_space<hbm>> -> memref<80x512xf32, #tpu.memory_space<hbm>>
            tpu.wait_dma2 semaphore(%arg11 : memref<!tpu.dma_semaphore, #tpu.memory_space<semaphore_mem>>) src(%arg7 : memref<80x512xf32, #tpu.memory_space<vmem>>) dst(%dma_wait3A_87 : memref<80x512xf32, #tpu.memory_space<hbm>>)
          } else {
          }
          %eq3A_72 = arith.constant 0 : i32
          %eq3A_73 = arith.cmpi eq, %rem3A_30, %eq3A_72 : i32
          %convert_element_type3A_74 = arith.extui %eq3A_73 : i1 to i32
          %cond3A_75 = arith.constant 0 : i32
          %cond3A_76 = arith.cmpi ne, %convert_element_type3A_74, %cond3A_75 : i32
          scf.if %cond3A_76 {
            %rem3A_82 = arith.constant 64 : i32
            %rem3A_83 = arith.remsi %scan3A_26, %rem3A_82 : i32
            %dma_start3A_84 = arith.constant 0 : i32
            %dma_start3A_85 = tpu.memref_slice %arg5[%rem3A_83, %dma_start3A_84] : memref<64x80xi32, #tpu.memory_space<vmem>> -> memref<1x80xi32, #tpu.memory_space<vmem>>
            %dma_start3A_86 = tpu.memref_squeeze %dma_start3A_85 : memref<1x80xi32, #tpu.memory_space<vmem>> -> memref<80xi32, #tpu.memory_space<vmem>>
            %dma_start3A_87 = arith.constant 0 : i32
            %dma_start3A_88 = arith.constant 0 : i32
            %dma_start3A_89 = tpu.memref_slice %arg3[%dma_start3A_87, %dma_start3A_88] : memref<409600x512xf32, #tpu.memory_space<hbm>> -> memref<409600x512xf32, #tpu.memory_space<hbm>>
            tpu.enqueue_indirect_dma source(%dma_start3A_89 : memref<409600x512xf32, #tpu.memory_space<hbm>>) target(%arg7 : memref<80x512xf32, #tpu.memory_space<vmem>>) offsets(%dma_start3A_86 : memref<80xi32, #tpu.memory_space<vmem>>) semaphore(%arg9 : memref<!tpu.dma_semaphore, #tpu.memory_space<semaphore_mem>>)
          } else {
          }
          %eq3A_77 = arith.constant 1 : i32
          %eq3A_78 = arith.cmpi eq, %rem3A_30, %eq3A_77 : i32
          %convert_element_type3A_79 = arith.extui %eq3A_78 : i1 to i32
          %cond3A_80 = arith.constant 0 : i32
          %cond3A_81 = arith.cmpi ne, %convert_element_type3A_79, %cond3A_80 : i32
          scf.if %cond3A_81 {
            %rem3A_82 = arith.constant 64 : i32
            %rem3A_83 = arith.remsi %scan3A_26, %rem3A_82 : i32
            %dma_start3A_84 = arith.constant 0 : i32
            %dma_start3A_85 = tpu.memref_slice %arg6[%rem3A_83, %dma_start3A_84] : memref<64x80xi32, #tpu.memory_space<vmem>> -> memref<1x80xi32, #tpu.memory_space<vmem>>
            %dma_start3A_86 = tpu.memref_squeeze %dma_start3A_85 : memref<1x80xi32, #tpu.memory_space<vmem>> -> memref<80xi32, #tpu.memory_space<vmem>>
            %dma_start3A_87 = arith.constant 0 : i32
            %dma_start3A_88 = arith.constant 0 : i32
            %dma_start3A_89 = tpu.memref_slice %arg3[%dma_start3A_87, %dma_start3A_88] : memref<409600x512xf32, #tpu.memory_space<hbm>> -> memref<409600x512xf32, #tpu.memory_space<hbm>>
            tpu.enqueue_indirect_dma source(%dma_start3A_89 : memref<409600x512xf32, #tpu.memory_space<hbm>>) target(%arg7 : memref<80x512xf32, #tpu.memory_space<vmem>>) offsets(%dma_start3A_86 : memref<80xi32, #tpu.memory_space<vmem>>) semaphore(%arg9 : memref<!tpu.dma_semaphore, #tpu.memory_space<semaphore_mem>>)
          } else {
          }
        } else {
        }
        %rem3A_60 = arith.constant 2 : i32
        %rem3A_61 = arith.remsi %scan3A_26, %rem3A_60 : i32
        %eq3A_62 = arith.constant 1 : i32
        %eq3A_63 = arith.cmpi eq, %rem3A_61, %eq3A_62 : i32
        %convert_element_type3A_64 = arith.extui %eq3A_63 : i1 to i32
        %cond3A_65 = arith.constant 0 : i32
        %cond3A_66 = arith.cmpi ne, %convert_element_type3A_64, %cond3A_65 : i32
        scf.if %cond3A_66 {
          %ge3A_67 = arith.constant 2 : i32
          %ge3A_68 = arith.cmpi sge, %scan3A_26, %ge3A_67 : i32
          %convert_element_type3A_69 = arith.extui %ge3A_68 : i1 to i32
          %cond3A_70 = arith.constant 0 : i32
          %cond3A_71 = arith.cmpi ne, %convert_element_type3A_69, %cond3A_70 : i32
          scf.if %cond3A_71 {
            %dma_wait3A_82 = arith.constant 0 : i32
            %dma_wait3A_83 = arith.constant 0 : i32
            %dma_wait3A_84 = tpu.memref_slice %arg4[%dma_wait3A_82, %dma_wait3A_83] : memref<3276800x512xf32, #tpu.memory_space<hbm>> -> memref<80x512xf32, #tpu.memory_space<hbm>>
            %dma_wait3A_85 = arith.constant 0 : i32
            %dma_wait3A_86 = arith.constant 0 : i32
            %dma_wait3A_87 = tpu.memref_slice %arg4[%dma_wait3A_85, %dma_wait3A_86] : memref<3276800x512xf32, #tpu.memory_space<hbm>> -> memref<80x512xf32, #tpu.memory_space<hbm>>
            tpu.wait_dma2 semaphore(%arg12 : memref<!tpu.dma_semaphore, #tpu.memory_space<semaphore_mem>>) src(%arg8 : memref<80x512xf32, #tpu.memory_space<vmem>>) dst(%dma_wait3A_87 : memref<80x512xf32, #tpu.memory_space<hbm>>)
          } else {
          }
          %eq3A_72 = arith.constant 0 : i32
          %eq3A_73 = arith.cmpi eq, %rem3A_30, %eq3A_72 : i32
          %convert_element_type3A_74 = arith.extui %eq3A_73 : i1 to i32
          %cond3A_75 = arith.constant 0 : i32
          %cond3A_76 = arith.cmpi ne, %convert_element_type3A_74, %cond3A_75 : i32
          scf.if %cond3A_76 {
            %rem3A_82 = arith.constant 64 : i32
            %rem3A_83 = arith.remsi %scan3A_26, %rem3A_82 : i32
            %dma_start3A_84 = arith.constant 0 : i32
            %dma_start3A_85 = tpu.memref_slice %arg5[%rem3A_83, %dma_start3A_84] : memref<64x80xi32, #tpu.memory_space<vmem>> -> memref<1x80xi32, #tpu.memory_space<vmem>>
            %dma_start3A_86 = tpu.memref_squeeze %dma_start3A_85 : memref<1x80xi32, #tpu.memory_space<vmem>> -> memref<80xi32, #tpu.memory_space<vmem>>
            %dma_start3A_87 = arith.constant 0 : i32
            %dma_start3A_88 = arith.constant 0 : i32
            %dma_start3A_89 = tpu.memref_slice %arg3[%dma_start3A_87, %dma_start3A_88] : memref<409600x512xf32, #tpu.memory_space<hbm>> -> memref<409600x512xf32, #tpu.memory_space<hbm>>
            tpu.enqueue_indirect_dma source(%dma_start3A_89 : memref<409600x512xf32, #tpu.memory_space<hbm>>) target(%arg8 : memref<80x512xf32, #tpu.memory_space<vmem>>) offsets(%dma_start3A_86 : memref<80xi32, #tpu.memory_space<vmem>>) semaphore(%arg10 : memref<!tpu.dma_semaphore, #tpu.memory_space<semaphore_mem>>)
          } else {
          }
          %eq3A_77 = arith.constant 1 : i32
          %eq3A_78 = arith.cmpi eq, %rem3A_30, %eq3A_77 : i32
          %convert_element_type3A_79 = arith.extui %eq3A_78 : i1 to i32
          %cond3A_80 = arith.constant 0 : i32
          %cond3A_81 = arith.cmpi ne, %convert_element_type3A_79, %cond3A_80 : i32
          scf.if %cond3A_81 {
            %rem3A_82 = arith.constant 64 : i32
            %rem3A_83 = arith.remsi %scan3A_26, %rem3A_82 : i32
            %dma_start3A_84 = arith.constant 0 : i32
            %dma_start3A_85 = tpu.memref_slice %arg6[%rem3A_83, %dma_start3A_84] : memref<64x80xi32, #tpu.memory_space<vmem>> -> memref<1x80xi32, #tpu.memory_space<vmem>>
            %dma_start3A_86 = tpu.memref_squeeze %dma_start3A_85 : memref<1x80xi32, #tpu.memory_space<vmem>> -> memref<80xi32, #tpu.memory_space<vmem>>
            %dma_start3A_87 = arith.constant 0 : i32
            %dma_start3A_88 = arith.constant 0 : i32
            %dma_start3A_89 = tpu.memref_slice %arg3[%dma_start3A_87, %dma_start3A_88] : memref<409600x512xf32, #tpu.memory_space<hbm>> -> memref<409600x512xf32, #tpu.memory_space<hbm>>
            tpu.enqueue_indirect_dma source(%dma_start3A_89 : memref<409600x512xf32, #tpu.memory_space<hbm>>) target(%arg8 : memref<80x512xf32, #tpu.memory_space<vmem>>) offsets(%dma_start3A_86 : memref<80xi32, #tpu.memory_space<vmem>>) semaphore(%arg10 : memref<!tpu.dma_semaphore, #tpu.memory_space<semaphore_mem>>)
          } else {
          }
        } else {
        }
      } else {
      }
      %ge3A = arith.constant 1 : i32
      %ge3A_49 = arith.cmpi sge, %scan3A_26, %ge3A : i32
      %convert_element_type3A_50 = arith.extui %ge3A_49 : i1 to i32
      %cond3A_51 = arith.constant 0 : i32
      %cond3A_52 = arith.cmpi ne, %convert_element_type3A_50, %cond3A_51 : i32
      scf.if %cond3A_52 {
        %sub3A = arith.constant 1 : i32
        %sub3A_53 = arith.subi %scan3A_26, %sub3A : i32
        %div3A_54 = arith.constant 64 : i32
        %div3A_55 = arith.divsi %sub3A_53, %div3A_54 : i32
        %rem3A_56 = arith.constant 2 : i32
        %rem3A_57 = arith.remsi %div3A_55, %rem3A_56 : i32
        %rem3A_58 = arith.constant 2 : i32
        %rem3A_59 = arith.remsi %sub3A_53, %rem3A_58 : i32
        %eq3A_60 = arith.constant 0 : i32
        %eq3A_61 = arith.cmpi eq, %rem3A_59, %eq3A_60 : i32
        %convert_element_type3A_62 = arith.extui %eq3A_61 : i1 to i32
        %cond3A_63 = arith.constant 0 : i32
        %cond3A_64 = arith.cmpi ne, %convert_element_type3A_62, %cond3A_63 : i32
        scf.if %cond3A_64 {
          %eq3A_72 = arith.constant 0 : i32
          %eq3A_73 = arith.cmpi eq, %rem3A_57, %eq3A_72 : i32
          %convert_element_type3A_74 = arith.extui %eq3A_73 : i1 to i32
          %cond3A_75 = arith.constant 0 : i32
          %cond3A_76 = arith.cmpi ne, %convert_element_type3A_74, %cond3A_75 : i32
          scf.if %cond3A_76 {
            %dma_wait3A_89 = arith.constant 0 : i32
            %dma_wait3A_90 = arith.constant 0 : i32
            %dma_wait3A_91 = tpu.memref_slice %arg5[%dma_wait3A_89, %dma_wait3A_90] : memref<64x80xi32, #tpu.memory_space<vmem>> -> memref<1x80xi32, #tpu.memory_space<vmem>>
            %dma_wait3A_92 = tpu.memref_squeeze %dma_wait3A_91 : memref<1x80xi32, #tpu.memory_space<vmem>> -> memref<80xi32, #tpu.memory_space<vmem>>
            %dma_wait3A_93 = arith.constant 0 : i32
            %dma_wait3A_94 = arith.constant 0 : i32
            %dma_wait3A_95 = tpu.memref_slice %arg3[%dma_wait3A_93, %dma_wait3A_94] : memref<409600x512xf32, #tpu.memory_space<hbm>> -> memref<409600x512xf32, #tpu.memory_space<hbm>>
            tpu.wait_indirect_dma semaphore(%arg9 : memref<!tpu.dma_semaphore, #tpu.memory_space<semaphore_mem>>) src(%dma_wait3A_95 : memref<409600x512xf32, #tpu.memory_space<hbm>>) dst(%arg7 : memref<80x512xf32, #tpu.memory_space<vmem>>)
          } else {
          }
          %eq3A_77 = arith.constant 1 : i32
          %eq3A_78 = arith.cmpi eq, %rem3A_57, %eq3A_77 : i32
          %convert_element_type3A_79 = arith.extui %eq3A_78 : i1 to i32
          %cond3A_80 = arith.constant 0 : i32
          %cond3A_81 = arith.cmpi ne, %convert_element_type3A_79, %cond3A_80 : i32
          scf.if %cond3A_81 {
            %dma_wait3A_89 = arith.constant 0 : i32
            %dma_wait3A_90 = arith.constant 0 : i32
            %dma_wait3A_91 = tpu.memref_slice %arg6[%dma_wait3A_89, %dma_wait3A_90] : memref<64x80xi32, #tpu.memory_space<vmem>> -> memref<1x80xi32, #tpu.memory_space<vmem>>
            %dma_wait3A_92 = tpu.memref_squeeze %dma_wait3A_91 : memref<1x80xi32, #tpu.memory_space<vmem>> -> memref<80xi32, #tpu.memory_space<vmem>>
            %dma_wait3A_93 = arith.constant 0 : i32
            %dma_wait3A_94 = arith.constant 0 : i32
            %dma_wait3A_95 = tpu.memref_slice %arg3[%dma_wait3A_93, %dma_wait3A_94] : memref<409600x512xf32, #tpu.memory_space<hbm>> -> memref<409600x512xf32, #tpu.memory_space<hbm>>
            tpu.wait_indirect_dma semaphore(%arg9 : memref<!tpu.dma_semaphore, #tpu.memory_space<semaphore_mem>>) src(%dma_wait3A_95 : memref<409600x512xf32, #tpu.memory_space<hbm>>) dst(%arg7 : memref<80x512xf32, #tpu.memory_space<vmem>>)
          } else {
          }
          %mul3A_82 = arith.constant 80 : i32
          %mul3A_83 = arith.muli %sub3A_53, %mul3A_82 : i32
          %add3A_84 = arith.addi %mul3A_2, %mul3A_83 : i32
          %dma_start3A_85 = arith.constant 0 : i32
          %dma_start3A_86 = tpu.memref_slice %arg4[%add3A_84, %dma_start3A_85] : memref<3276800x512xf32, #tpu.memory_space<hbm>> -> memref<80x512xf32, #tpu.memory_space<hbm>>
          %dma_start3A_87 = arith.constant 0 : i32
          %dma_start3A_88 = tpu.memref_slice %arg4[%add3A_84, %dma_start3A_87] : memref<3276800x512xf32, #tpu.memory_space<hbm>> -> memref<80x512xf32, #tpu.memory_space<hbm>>
          tpu.enqueue_dma source(%arg7 : memref<80x512xf32, #tpu.memory_space<vmem>>) target(%dma_start3A_88 : memref<80x512xf32, #tpu.memory_space<hbm>>) target_semaphore(%arg11 : memref<!tpu.dma_semaphore, #tpu.memory_space<semaphore_mem>>)
        } else {
        }
        %rem3A_65 = arith.constant 2 : i32
        %rem3A_66 = arith.remsi %sub3A_53, %rem3A_65 : i32
        %eq3A_67 = arith.constant 1 : i32
        %eq3A_68 = arith.cmpi eq, %rem3A_66, %eq3A_67 : i32
        %convert_element_type3A_69 = arith.extui %eq3A_68 : i1 to i32
        %cond3A_70 = arith.constant 0 : i32
        %cond3A_71 = arith.cmpi ne, %convert_element_type3A_69, %cond3A_70 : i32
        scf.if %cond3A_71 {
          %eq3A_72 = arith.constant 0 : i32
          %eq3A_73 = arith.cmpi eq, %rem3A_57, %eq3A_72 : i32
          %convert_element_type3A_74 = arith.extui %eq3A_73 : i1 to i32
          %cond3A_75 = arith.constant 0 : i32
          %cond3A_76 = arith.cmpi ne, %convert_element_type3A_74, %cond3A_75 : i32
          scf.if %cond3A_76 {
            %dma_wait3A_89 = arith.constant 0 : i32
            %dma_wait3A_90 = arith.constant 0 : i32
            %dma_wait3A_91 = tpu.memref_slice %arg5[%dma_wait3A_89, %dma_wait3A_90] : memref<64x80xi32, #tpu.memory_space<vmem>> -> memref<1x80xi32, #tpu.memory_space<vmem>>
            %dma_wait3A_92 = tpu.memref_squeeze %dma_wait3A_91 : memref<1x80xi32, #tpu.memory_space<vmem>> -> memref<80xi32, #tpu.memory_space<vmem>>
            %dma_wait3A_93 = arith.constant 0 : i32
            %dma_wait3A_94 = arith.constant 0 : i32
            %dma_wait3A_95 = tpu.memref_slice %arg3[%dma_wait3A_93, %dma_wait3A_94] : memref<409600x512xf32, #tpu.memory_space<hbm>> -> memref<409600x512xf32, #tpu.memory_space<hbm>>
            tpu.wait_indirect_dma semaphore(%arg10 : memref<!tpu.dma_semaphore, #tpu.memory_space<semaphore_mem>>) src(%dma_wait3A_95 : memref<409600x512xf32, #tpu.memory_space<hbm>>) dst(%arg8 : memref<80x512xf32, #tpu.memory_space<vmem>>)
          } else {
          }
          %eq3A_77 = arith.constant 1 : i32
          %eq3A_78 = arith.cmpi eq, %rem3A_57, %eq3A_77 : i32
          %convert_element_type3A_79 = arith.extui %eq3A_78 : i1 to i32
          %cond3A_80 = arith.constant 0 : i32
          %cond3A_81 = arith.cmpi ne, %convert_element_type3A_79, %cond3A_80 : i32
          scf.if %cond3A_81 {
            %dma_wait3A_89 = arith.constant 0 : i32
            %dma_wait3A_90 = arith.constant 0 : i32
            %dma_wait3A_91 = tpu.memref_slice %arg6[%dma_wait3A_89, %dma_wait3A_90] : memref<64x80xi32, #tpu.memory_space<vmem>> -> memref<1x80xi32, #tpu.memory_space<vmem>>
            %dma_wait3A_92 = tpu.memref_squeeze %dma_wait3A_91 : memref<1x80xi32, #tpu.memory_space<vmem>> -> memref<80xi32, #tpu.memory_space<vmem>>
            %dma_wait3A_93 = arith.constant 0 : i32
            %dma_wait3A_94 = arith.constant 0 : i32
            %dma_wait3A_95 = tpu.memref_slice %arg3[%dma_wait3A_93, %dma_wait3A_94] : memref<409600x512xf32, #tpu.memory_space<hbm>> -> memref<409600x512xf32, #tpu.memory_space<hbm>>
            tpu.wait_indirect_dma semaphore(%arg10 : memref<!tpu.dma_semaphore, #tpu.memory_space<semaphore_mem>>) src(%dma_wait3A_95 : memref<409600x512xf32, #tpu.memory_space<hbm>>) dst(%arg8 : memref<80x512xf32, #tpu.memory_space<vmem>>)
          } else {
          }
          %mul3A_82 = arith.constant 80 : i32
          %mul3A_83 = arith.muli %sub3A_53, %mul3A_82 : i32
          %add3A_84 = arith.addi %mul3A_2, %mul3A_83 : i32
          %dma_start3A_85 = arith.constant 0 : i32
          %dma_start3A_86 = tpu.memref_slice %arg4[%add3A_84, %dma_start3A_85] : memref<3276800x512xf32, #tpu.memory_space<hbm>> -> memref<80x512xf32, #tpu.memory_space<hbm>>
          %dma_start3A_87 = arith.constant 0 : i32
          %dma_start3A_88 = tpu.memref_slice %arg4[%add3A_84, %dma_start3A_87] : memref<3276800x512xf32, #tpu.memory_space<hbm>> -> memref<80x512xf32, #tpu.memory_space<hbm>>
          tpu.enqueue_dma source(%arg8 : memref<80x512xf32, #tpu.memory_space<vmem>>) target(%dma_start3A_88 : memref<80x512xf32, #tpu.memory_space<hbm>>) target_semaphore(%arg12 : memref<!tpu.dma_semaphore, #tpu.memory_space<semaphore_mem>>)
        } else {
        }
      } else {
      }
    }
    %scan3A_14 = arith.constant 1281 : i32
    %dma_wait3A = arith.constant 0 : i32
    %dma_wait3A_15 = arith.constant 0 : i32
    %dma_wait3A_16 = tpu.memref_slice %arg4[%dma_wait3A, %dma_wait3A_15] : memref<3276800x512xf32, #tpu.memory_space<hbm>> -> memref<80x512xf32, #tpu.memory_space<hbm>>
    %dma_wait3A_17 = arith.constant 0 : i32
    %dma_wait3A_18 = arith.constant 0 : i32
    %dma_wait3A_19 = tpu.memref_slice %arg4[%dma_wait3A_17, %dma_wait3A_18] : memref<3276800x512xf32, #tpu.memory_space<hbm>> -> memref<80x512xf32, #tpu.memory_space<hbm>>
    tpu.wait_dma2 semaphore(%arg11 : memref<!tpu.dma_semaphore, #tpu.memory_space<semaphore_mem>>) src(%arg7 : memref<80x512xf32, #tpu.memory_space<vmem>>) dst(%dma_wait3A_19 : memref<80x512xf32, #tpu.memory_space<hbm>>)
    %dma_wait3A_20 = arith.constant 0 : i32
    %dma_wait3A_21 = arith.constant 0 : i32
    %dma_wait3A_22 = tpu.memref_slice %arg4[%dma_wait3A_20, %dma_wait3A_21] : memref<3276800x512xf32, #tpu.memory_space<hbm>> -> memref<80x512xf32, #tpu.memory_space<hbm>>
    %dma_wait3A_23 = arith.constant 0 : i32
    %dma_wait3A_24 = arith.constant 0 : i32
    %dma_wait3A_25 = tpu.memref_slice %arg4[%dma_wait3A_23, %dma_wait3A_24] : memref<3276800x512xf32, #tpu.memory_space<hbm>> -> memref<80x512xf32, #tpu.memory_space<hbm>>
    tpu.wait_dma2 semaphore(%arg12 : memref<!tpu.dma_semaphore, #tpu.memory_space<semaphore_mem>>) src(%arg8 : memref<80x512xf32, #tpu.memory_space<vmem>>) dst(%dma_wait3A_25 : memref<80x512xf32, #tpu.memory_space<hbm>>)
    return
  }
}

</mosaic_0001>

<sc_bundles>
// kernel: _run.3.cloned.1.call-start
scs
__scs_entry_jumppad:
0x0: {  	(pc) =	sbr.rel $0x88, $3  }
0x1: {  	(tag) =	ssettag $0x0;
	lr =	simm.s32 $0x1  }
0x2: {  	[smem:$0x3F9C] =	sst lr;
	_ =	strace $0xD0000000  }
0x3: {  	_ = 	snop  }
0x4: {  	_ = 	snop  }
0x5: {  	_ = 	snop  }
0x6: {  	_ = 	snop  }
0x7: {  	_ = 	snop  }
__scs_overlays_trampoline_lowered:
0x8: {  	[smem:$0x3FAB] =	sst s0  }
0x9: {  	[smem:$0x3FAC] =	sst s1  }
0xa: {  	[smem:$0x3FAD] =	sst s2  }
0xb: {  	[smem:$0x3FAE] =	sst s3  }
0xc: {  	[smem:$0x3FAF] =	sst s4  }
0xd: {  	[smem:$0x3FB0] =	sst s5  }
0xe: {  	[smem:$0x3FB1] =	sst s6  }
0xf: {  	[smem:$0x3FB2] =	sst s7  }
0x10: {  	[smem:$0x3FB3] =	sst s8  }
0x11: {  	[smem:$0x3FB4] =	sst s9;
	s0 =	simm.s32 @!p0 $0x0  }
0x12: {  	s1 =	sld [smem:$0x3F9A];
	s0 =	simm.s32 @p0 $0x1  }
0x13: {  	[smem:$0x3FB5] =	sst s0;
	s0 =	simm.s32 @!p1 $0x0  }
0x14: {  	s2 =	sld [smem:$0x3F99];
	s0 =	simm.s32 @p1 $0x1  }
0x15: {  	[smem:$0x3FB6] =	sst s0;
	s0 =	simm.s32 @!p2 $0x0  }
0x16: {  	s3 =	sld [smem:$0x3FDB];
	s0 =	simm.s32 @p2 $0x1  }
0x17: {  	s4 =	simm.s32 $0x1BF5;
	[smem:$0x3FB8] =	sst s0  }
0x18: {  	s0 =	sld [smem:$0x3F9B];
	_ =	swait.ge [sflag:s4], $0x0  }
0x19: {  	s7 =	sld [smem:$0x3F9C]  }
0x1a: {  	s8 =	sadd.s32 $0xFFFFE003, lr  }
0x1b: {  	s9 =	sadd.s32 $0xFFFFFEF7, lr;
	s5 =	simm.s32 $0xFFFFFFFF;
	p2 =	slt.u32 s8, $0xFFFFF086  }
0x1c: {  	p1 =	slt.u32 s9, $0xF7A;
	s5 =	simm.s32 @!p2 $0x0  }
0x1d: {  	s5 =	simm.s32 @p1 $0x1;
	p0 =	seq.s32 s7, s2  }
0x1e: {  	s7 =	smul.u32 @!p0 $0xF7A, s2;
	p2 =	seq.s32 @!p0 s5, $0x0  }
0x1f: {  	s9 =	smul.u32 $0xF7A, s1;
	s8 =	simm.s32 @!p0 $0x1BF5;
	p2 =	por !p2, p0  }
0x20: {  	[sflag:s8] =	ssyncset.s32 @!p0 $0xFFFFF086;
	s6 =	sadd.s32 @!p0 s3, s7;
	s7 =	simm.s32 @!p0 $0x108  }
0x21: {  	s3 =	sadd.s32 s3, s9;
	s6 =	sadd.s32 @!p0 $0x88, s6;
	s7 =	simm.s32 @p2 $0x1082  }
0x22: {  	[simem:s7], [sflag:s8] =	dma.local @!p0 [hbm:s6], $0xF7A  }
0x23: {  	s9 =	sor.u32 $0xD0000000, s2;
	s6 =	simm.s32 $0x108;
	_ =	swait.ge @!p0 [sflag:s8], $0x0  }
0x24: {  	s3 =	sadd.s32 $0x88, s3;
	s6 =	simm.s32 @!p1 $0x1082;
	[sflag:s4] =	ssyncset.s32 $0xFFFFF086  }
0x25: {  	[simem:s6], [sflag:s4] =	dma.local [hbm:s3], $0xF7A  }
0x26: {  	[smem:$0x3F9C] =	sst s1;
	(tag) =	ssettag s2;
	_ =	strace s9  }
0x27: {  	s1 =	sld [smem:$0x3FAC]  }
0x28: {  	s2 =	sld [smem:$0x3FAD]  }
0x29: {  	s4 =	sld [smem:$0x3FAF]  }
0x2a: {  	p0 =	seq.s32 s5, $0x0;
	s5 =	sld [smem:$0x3FB0]  }
0x2b: {  	s6 =	sld [smem:$0x3FB1]  }
0x2c: {  	s7 =	sld [smem:$0x3FB2]  }
0x2d: {  	s3 =	simm.s32 $0x108;
	s8 =	sld [smem:$0x3FB3]  }
0x2e: {  	s3 =	simm.s32 @!p0 $0x1082;
	s9 =	sld [smem:$0x3FB4]  }
0x2f: {  	lr =	sadd.s32 s0, s3;
	s0 =	sld [smem:$0x3FAB]  }
0x30: {  	s3 =	sld [smem:$0x3FAE]  }
0x31: {  	[smem:$0x3FB7] =	sst s10  }
0x32: {  	s10 =	sld [smem:$0x3FB5];
	_ =	sdelay $0x3  }
0x33: {  	p0 =	seq.s32 s10, $0x1;
	s10 =	sld [smem:$0x3FB7];
	_ =	sdelay $0x3  }
0x34: {  	[smem:$0x3FB7] =	sst s10  }
0x35: {  	s10 =	sld [smem:$0x3FB6];
	_ =	sdelay $0x3  }
0x36: {  	p1 =	seq.s32 s10, $0x1;
	s10 =	sld [smem:$0x3FB7];
	_ =	sdelay $0x3  }
0x37: {  	[smem:$0x3FB7] =	sst s10  }
0x38: {  	s10 =	sld [smem:$0x3FB8]  }
0x39: {  	_ = 	snop;
	(pc) =	sbr.ind lr, $3  }
0x3a: {  	_ = 	snop  }
0x3b: {  	_ = 	snop  }
0x3c: {  	p2 =	seq.s32 s10, $0x1;
	s10 =	sld [smem:$0x3FB7]  }
0x3d: {  	_ =	shalt  }
0x3e: {  	_ =	shalt  }
0x3f: {  	_ =	shalt  }
0x40: {  	_ =	shalt  }
0x41: {  	_ =	shalt  }
0x42: {  	_ =	shalt  }
0x43: {  	_ =	shalt  }
0x44: {  	_ =	shalt  }
0x45: {  	_ =	shalt  }
0x46: {  	_ =	shalt  }
0x47: {  	_ =	shalt  }
0x48: {  	_ =	shalt  }
0x49: {  	_ =	shalt  }
0x4a: {  	_ =	shalt  }
0x4b: {  	_ =	shalt  }
0x4c: {  	_ =	shalt  }
0x4d: {  	_ =	shalt  }
0x4e: {  	_ =	shalt  }
0x4f: {  	_ =	shalt  }
0x50: {  	_ =	shalt  }
0x51: {  	_ =	shalt  }
0x52: {  	_ =	shalt  }
0x53: {  	_ =	shalt  }
0x54: {  	_ =	shalt  }
0x55: {  	_ =	shalt  }
0x56: {  	_ =	shalt  }
0x57: {  	_ =	shalt  }
0x58: {  	_ =	shalt  }
0x59: {  	_ =	shalt  }
0x5a: {  	_ =	shalt  }
0x5b: {  	_ =	shalt  }
0x5c: {  	_ =	shalt  }
0x5d: {  	_ =	shalt  }
0x5e: {  	_ =	shalt  }
0x5f: {  	_ =	shalt  }
0x60: {  	_ =	shalt  }
0x61: {  	_ =	shalt  }
0x62: {  	_ =	shalt  }
0x63: {  	_ =	shalt  }
0x64: {  	_ =	shalt  }
0x65: {  	_ =	shalt  }
0x66: {  	_ =	shalt  }
0x67: {  	_ =	shalt  }
0x68: {  	_ =	shalt  }
0x69: {  	_ =	shalt  }
0x6a: {  	_ =	shalt  }
0x6b: {  	_ =	shalt  }
0x6c: {  	_ =	shalt  }
0x6d: {  	_ =	shalt  }
0x6e: {  	_ =	shalt  }
0x6f: {  	_ =	shalt  }
0x70: {  	_ =	shalt  }
0x71: {  	_ =	shalt  }
0x72: {  	_ =	shalt  }
0x73: {  	_ =	shalt  }
0x74: {  	_ =	shalt  }
0x75: {  	_ =	shalt  }
0x76: {  	_ =	shalt  }
0x77: {  	_ =	shalt  }
0x78: {  	_ =	shalt  }
0x79: {  	_ =	shalt  }
0x7a: {  	_ =	shalt  }
0x7b: {  	_ =	shalt  }
0x7c: {  	_ =	shalt  }
0x7d: {  	_ =	shalt  }
0x7e: {  	_ =	shalt  }
0x7f: {  	_ =	shalt  }
0x80: {  	_ =	shalt  }
0x81: {  	_ =	shalt  }
0x82: {  	_ =	shalt  }
0x83: {  	_ =	shalt  }
0x84: {  	_ =	shalt  }
0x85: {  	_ =	shalt  }
0x86: {  	_ =	shalt  }
0x87: {  	_ =	shalt  }
.Lfunc_end0:
.L_simem_size_0:
called_computation_lowered:
.L_overlay_start_0:
0x88: {  	s2 =	sld [smem:$0x3FD9]  }
0x89: {  	s3 =	sld [smem:$0x3FFE];
	_ =	sdelay $0x1  }
0x8a: {  	s1 =	srdreg.scid  }
0x8b: {  	s0 =	sand.u32 $0x1, s1  }
0x8c: {  	s17 =	sshll.u32 s0, $0xA;
	s2 =	sadd.s32 s3, s2  }
0x8d: {  	s2 =	sadd.s32 s2, s17  }
0x8e: {  	[smem:$0x3FC3] =	sst s2  }
0x8f: {  	_ = 	snop  }
0x90: {  	s2 =	sld [smem:$0x3FD0];
	(tm) =	ssettm $0x1  }
0x91: {  	s18 =	sld [smem:$0x3FFB];
	_ =	sdelay $0x3  }
0x92: {  	_ =	strace s18  }
0x93: {  	s3 =	sld [smem:$0x3FFC];
	_ =	sdelay $0x3  }
0x94: {  	_ =	strace s3  }
0x95: {  	s3 =	sld [smem:$0x3FFD];
	_ =	sdelay $0x3  }
0x96: {  	_ =	strace s3  }
0x97: {  	_ =	strace $0x8FFFFFFF  }
0x98: {  	s19 =	sld [smem:$0x3FDB];
	_ =	sdelay $0x1  }
0x99: {  	s4 =	simm.s32 $_scs_section_size  }
0x9a: {  	s5 =	simm.s32 $_size__tile_overlayer_lowered;
	s6 =	simm.s32 $_tile_overlayer_lowered  }
0x9b: {  	s22 =	simm.s32 $0x1BFF;
	s21 =	sshll.u32 s6, $0x1;
	s3 =	sadd.s32 s4, s19  }
0x9c: {  	s7 =	simm.s32 $0x0;
	s20 =	sshll.u32 s5, $0x1;
	s5 =	sadd.s32 s21, s3  }
0x9d: {  	[timem:s7], [sflag:s22] =	dma.local [hbm:s5], s20  }
0x9e: {  	_ =	swait.ge [sflag:s22], s20  }
0x9f: {  	s4 =	ssub.s32 $0x0, s20;
	[sflag:s22] =	ssyncset.done $0x0  }
0xa0: {  	[sflag:s22] =	ssyncadd.s32 s4;
	_ =	sdelay $0x1  }
0xa1: {  	s23 =	simm.s32 $0x1B8B  }
0xa2: {  	_ =	swait.ge [sflag:s23], $0x1  }
0xa3: {  	[sflag:s23] =	ssyncset.done $0x0  }
0xa4: {  	s25 =	simm.s32 $0x1B8E;
	s24 =	sld [smem:$0x3FFE];
	[sflag:s23] =	ssyncadd.s32 $0xFFFFFFFF  }
0xa5: {  	s26 =	simm.s32 $execute0_lowered;
	[smem:$0x3FD2] =	sst s25  }
0xa6: {  	s5 =	sshll.u32 s26, $0x1;
	_ =	strace $0x80000046;
	[dreg:$0x1] =	wrdreg $0xFFFFFFFF  }
0xa7: {  	s28 =	simm.s32 $_size_execute0_lowered;
	s3 =	sadd.s32 s3, s5;
	[dreg:$0x0] =	wrdreg $0x0  }
0xa8: {  	s5 =	sshll.u32 s28, $0x1;
	[dreg:$0x2] =	wrdreg s3  }
0xa9: {  	[dreg:$0x3] =	wrdreg s5  }
0xaa: {  	[dreg:$0x4] =	wrdreg $0xC0  }
0xab: {  	_ =	task [dreg:s7], $0x5FFFF  }
0xac: {  	[dreg:$0x1] =	wrdreg $0xFFFFFFFF  }
0xad: {  	[dreg:$0x0] =	wrdreg $0x60  }
0xae: {  	[dreg:$0x2] =	wrdreg s24  }
0xaf: {  	[dreg:$0x3] =	wrdreg s2  }
0xb0: {  	[dreg:$0x4] =	wrdreg $0x9  }
0xb1: {  	_ =	task.clear_ibuf [dreg:s7], $0x5FFFF;
	_ =	strace $0x90000046  }
0xb2: {  	s29 =	simm.s32 $0x9;
	_ =	strace $0x80000048  }
0xb3: {  	_ =	swait.ge [sflag:s29], $0x1  }
0xb4: {  	[sflag:s29] =	ssyncadd.s32 $0xFFFFFFFF  }
0xb5: {  	_ =	strace $0x90000048  }
0xb6: {  	_ =	sfence  }
0xb7: {  	s30 =	sld [smem:$0x0];
	_ =	sdelay $0x2  }
0xb8: {  	s31 =	sshll.u32 s1, $0xD;
	s1 =	sshrl.u32 s1, $0x2  }
0xb9: {  	s3 =	sand.u32 $0x4000, s31;
	s1 =	sadd.s32 s1, s30  }
0xba: {  	s0 =	sor.u32 s3, s0;
	s1 =	sshll.u32 s1, $0x11  }
0xbb: {  	s0 =	sor.u32 s1, s0  }
0xbc: {  	s0 =	sadd.s32 $0x8F2B, s0  }
0xbd: {  	[sflag:s0] =	ssyncadd.remote.s32 $0x1  }
0xbe: {  	_ =	sfence.sel $0xFFFF  }
0xbf: {  	[dreg:$0x0] =	wrdreg $0xFFFFFFFF;
	(pc) =	sbr.abs _section_cstart, $3  }
0xc0: {  	[dreg:$0x1] =	wrdreg $0xFFFFFFFF  }
0xc1: {  	_ =	task.clear_ibuf [dreg:s7], $0x2FFFF;
	_ =	strace $0x9FFFFFFF  }
0xc2: {  	(tm) =	ssettm $0x7FFFFFFF  }
0xc3: {  	_ =	shalt  }
tec
execute0_lowered:
.L_overlay_start_1:
0x0: {  	(tag) =	ssettag $0x1  }
0x1: {  	s0 =	rddreg [dreg:$0x0]  }
0x2: {  	s2 =	rddreg [dreg:$0x1];
	s3 =	simm.s32 $0x0;
	s1 =	srdreg.scid  }
0x3: {  	s10 =	stileid.u32;
	s12 =	simm.s32 $0x5;
	s13 =	simm.s32 $0xE000  }
0x4: {  	s20 =	simm.s32 $0x8000;
	s21 =	simm.s32 $0x8800;
	s22 =	simm.s32 $0x9000  }
0x5: {  	s23 =	simm.s32 $0x9800;
	s28 =	simm.s32 $0xB800;
	s29 =	simm.s32 $0xC000  }
0x6: {  	s30 =	simm.s32 $0xC800;
	s31 =	simm.s32 $0xD000;
	s11 =	simm.s32 $0x0  }
0x7: {  	[smem:$0x7FF] =	sst s3;
	s1 =	sand.u32 $0x1, s1;
	s5 =	sadd.s32 $0x1360A00, s0  }
0x8: {  	s4 =	sshll.u32 s10, $0x1;
	s10 =	smul.u32 $0xC80000, s10;
	_ =	strace $0x80000047  }
0x9: {  	s6 =	sor.u32 s1, s4;
	s7 =	ssub.s32 $0x2, s1;
	s1 =	smul.u32 $0x640000, s1  }
0xa: {  	s4 =	sadd.s32 $0xA00, s0;
	s9 =	smul.u32 $0x28000, s6;
	s8 =	sshrl.u32 s7, $0x1  }
0xb: {  	s6 =	smul.u32 $0x19000, s6;
	s10 =	sadd.s32 s10, s2;
	s7 =	ssub.s32 s7, s8  }
0xc: {  	s26 =	sadd.s32 s1, s10;
	s1 =	simm.s32 $0x2;
	s24 =	sshrl.u32 s9, $0x3  }
.Ltmp0:
0xd: {  	s25 =	smax.u32 s7, $0x1;
	s10 =	sor.u32 $0x2000, s9;
	(pc) =	sbr.rel .LBB2_1-.Ltmp0, $4  }
0xe: {  	s7 =	simm.s32 $0x1;
	s9 =	simm.s32 $0x4000;
	s8 =	sadd.s32 s4, s24  }
0xf: {  	v2 =	vlaneseq.u32;
	[dreg:$0x4] =	wrdreg s25;
	s24 =	simm.s32 $0xA000;
	s25 =	simm.s32 $0xA800  }
0x10: {  	vm0 =	vmmov $0xffff;
	v1 =	vshrl.u32 v2, $0x3;
	[dreg:$0x3] =	wrdreg s8;
	s8 =	sadd.s32 $0x1360B00, s0;
	s0 =	sadd.s32 $0xFFFFEC00, s26  }
0x11: {  	v0 =	vand.u32 $0x7, v2;
	v2 =	vor.u32 $0x8, v2;
	v1 =	vmul.u32 $0x8, v1;
	s26 =	simm.s32 $0xB000;
	[dreg:$0x5] =	wrdreg s0;
	s0 =	simm.s32 $0xD800  }
.LBB2_14:
0x12: {  	s14 =	simm.s32 $0x3  }
0x13: {  	_ =	swait.ge [sflag:s14], $0xA000  }
0x14: {  	[sflag:s14] =	ssyncset.done $0x0  }
0x15: {  	s15 =	simm.s32 $0x4;
	[sflag:s14] =	ssyncadd.s32 $0xFFFF6000  }
0x16: {  	_ =	swait.ge [sflag:s15], $0xA000  }
0x17: {  	s11 =	sadd.s32 $0x1, s11;
	s19 =	rddreg [dreg:$0x4]  }
0x18: {  	p0 =	sne.s32 s11, s19  }
.Ltmp1:
0x19: {  	_ = 	snop;
	(pc) =	sbr.rel @!p0 .LBB2_15-.Ltmp1, $3  }
0x1a: {  	_ =	sdelay $0x1  }
0x1b: {  	[sflag:s15] =	ssyncset.done $0x0  }
0x1c: {  	[sflag:s15] =	ssyncadd.s32 $0xFFFF6000  }
.LBB2_1:
.Ltmp2:
0x1d: {  	(pc) =	sbr.rel .LBB2_2-.Ltmp2, $4  }
0x1e: {  	_ = 	snop  }
0x1f: {  	s14 =	rddreg [dreg:$0x3]  }
0x20: {  	[tilespmem:s3], [sflag:$0x5] =	stream.linear.gather [hbm4b:s14+s3], $0x2000, $0x38;
	[tilespmem:$0x18000] =	vst v63  }
0x21: {  	s15 =	simm.s32 $0x0;
	s14 =	rddreg [dreg:$0x5]  }
.LBB2_5:
0x22: {  	s16 =	smul.u32 $0x50, s18;
	_ =	sdelay $0x1  }
0x23: {  	_ =	swait.ge [sflag:s1], $0xA000;
	s16 =	sadd.s32 s6, s16  }
0x24: {  	[sflag:s1] =	ssyncset.done $0x0;
	s16 =	sshll.u32 s16, $0x6  }
0x25: {  	[sflag:s1] =	ssyncadd.s32 $0xFFFF6000;
	s16 =	sadd.s32 s2, s16  }
0x26: {  	[hbm4b:s16+s3] =	stream.linear.scatter [tilespmem:s13], [sflag:$0x4], $0xA000, $0x38;
	[tilespmem:$0x18000] =	vst v63  }
.LBB2_13:
0x27: {  	s15 =	sadd.s32 $0x1, s15  }
0x28: {  	p0 =	sne.s32 s15, $0x501  }
.Ltmp3:
0x29: {  	_ = 	snop;
	(pc) =	sbr.rel @!p0 .LBB2_14-.Ltmp3, $2  }
0x2a: {  	_ =	sdelay $0x2  }
0x2b: {  	s14 =	sadd.s32 $0x1400, s14  }
.LBB2_2:
0x2c: {  	s16 =	sand.u32 $0x3F, s15;
	p0 =	seq.s32 s15, $0x500  }
0x2d: {  	p1 =	sne.s32 @!p0 s16, $0x0  }
0x2e: {  	p1 =	por p0, p1  }
.Ltmp4:
0x2f: {  	_ = 	snop;
	(pc) =	sbr.rel @p1 .LBB2_6-.Ltmp4, $2  }
0x30: {  	_ =	sdelay $0x2  }
0x31: {  	s17 =	sshrl.u32 s15, $0x6  }
0x32: {  	_ =	swait.ge [sflag:s12], $0x2000  }
0x33: {  	[sflag:s12] =	ssyncset.done $0x0  }
0x34: {  	[sflag:s12] =	ssyncadd.s32 $0xFFFFE000  }
.LBB2_4:
.Ltmp5:
0x35: {  	(pc) =	sbr.rel @!p0 .LBB2_8-.Ltmp5, $4  }
.Ltmp6:
0x36: {  	(pc) =	sbr.rel @p0 .LBB2_5-.Ltmp6, $4  }
0x37: {  	_ = 	snop  }
0x38: {  	_ = 	snop  }
0x39: {  	s18 =	simm.s32 $0x4FF  }
0x3a: {  	_ = 	snop  }
.LBB2_6:
0x3b: {  	p1 =	sgt.u32 s15, $0x4BF  }
0x3c: {  	p2 =	sne.s32 @!p1 s16, $0x1  }
0x3d: {  	p1 =	por p1, p2  }
.Ltmp7:
0x3e: {  	_ = 	snop;
	(pc) =	sbr.rel @p1 .LBB2_4-.Ltmp7, $1  }
0x3f: {  	_ =	sdelay $0x3  }
0x40: {  	s18 =	sshll.u32 s17, $0xD  }
0x41: {  	s19 =	sand.u32 $0x1, s17;
	s18 =	sadd.s32 s10, s18  }
0x42: {  	p0 =	seq.s32 s19, $0x1;
	s19 =	simm.s32 $0x0;
	s18 =	sshrl.u32 s18, $0x3  }
0x43: {  	s19 =	simm.s32 @!p0 $0x2000;
	s18 =	sadd.s32 s4, s18  }
0x44: {  	[tilespmem:s19], [sflag:$0x5] =	stream.linear.gather [hbm4b:s18+s3], $0x2000, $0x38;
	[tilespmem:$0x18000] =	vst v63  }
.LBB2_8:
0x45: {  	s18 =	sand.u32 $0x1, s15  }
0x46: {  	p1 =	seq.s32 s18, $0x1  }
.Ltmp8:
0x47: {  	_ = 	snop;
	(pc) =	sbr.rel @!p1 .LBB2_9-.Ltmp8, $2  }
0x48: {  	_ =	sdelay $0x2  }
0x49: {  	p0 =	slt.u32 s15, $0x2  }
0x4a: {  	s18 =	simm.s32 @!p0 $0x4;
	s17 =	sand.u32 $0x1, s17  }
0x4b: {  	_ =	swait.ge @!p0 [sflag:s18], $0xA000;
	p1 =	seq.s32 s17, $0x1;
	s17 =	simm.s32 $0x2000  }
0x4c: {  	s16 =	sshll.u32 s16, $0x7;
	s17 =	simm.s32 @!p1 $0x0;
	[sflag:s18] =	ssyncset.done @!p0 $0x0  }
0x4d: {  	[sflag:s18] =	ssyncadd.s32 @!p0 $0xFFFF6000;
	s16 =	sor.u32 s16, s17  }
0x4e: {  	v3 =	vld [tilespmem:s16+$0x0];
	_ =	sdelay $0x4  }
0x4f: {  	v4 =	vshll.u32 v3, $0x2  }
0x50: {  	v3 =	vand.u32 $0x7, v3;
	v4 =	vand.u32 $0xFFFFFFE0, v4  }
0x51: {  	v3 =	vor.u32 v3, v4  }
0x52: {  	v4 =	vperm.xlane v3, v0;
	_ =	sdelay $0x1  }
0x53: {  	v4 =	vadd.s32 v1, v4;
	_ =	sdelay $0x1  }
0x54: {  	v3 =	vperm.xlane v3, v2;
	_ =	sdelay $0x1  }
0x55: {  	v3 =	vadd.s32 v1, v3  }
0x56: {  	[tilespmem:s13], [sflag:$0x2] =	stream.indirect_vreg.gather [hbm4b:s5+s3], $0x80, v4, vm0, $0xb8;
	[tilespmem:$0x18000] =	vst v63  }
0x57: {  	s18 =	simm.s32 $0xE800  }
0x58: {  	[tilespmem:s18], [sflag:$0x2] =	stream.indirect_vreg.gather [hbm4b:s8+s3], $0x80, v4, vm0, $0xb8;
	[tilespmem:$0x18000] =	vst v63  }
0x59: {  	s19 =	simm.s32 $0xF000  }
0x5a: {  	[tilespmem:s19], [sflag:$0x2] =	stream.indirect_vreg.gather [hbm4b:s5+s3], $0x80, v3, vm0, $0xb8;
	[tilespmem:$0x18000] =	vst v63  }
0x5b: {  	s18 =	simm.s32 $0xF800  }
0x5c: {  	[tilespmem:s18], [sflag:$0x2] =	stream.indirect_vreg.gather [hbm4b:s8+s3], $0x80, v3, vm0, $0xb8;
	[tilespmem:$0x18000] =	vst v63  }
0x5d: {  	v3 =	vld [tilespmem:s16+$0x10];
	_ =	sdelay $0x4  }
0x5e: {  	v60 =	vshll.u32 v3, $0x2  }
0x5f: {  	v3 =	vand.u32 $0x7, v3;
	v4 =	vand.u32 $0xFFFFFFE0, v60  }
0x60: {  	v3 =	vor.u32 v3, v4  }
0x61: {  	v4 =	vperm.xlane v3, v0;
	_ =	sdelay $0x1  }
0x62: {  	v4 =	vadd.s32 v1, v4;
	_ =	sdelay $0x1  }
0x63: {  	v3 =	vperm.xlane v3, v2;
	_ =	sdelay $0x1  }
0x64: {  	s19 =	simm.s32 $0x10000;
	v3 =	vadd.s32 v1, v3  }
0x65: {  	[tilespmem:s19], [sflag:$0x2] =	stream.indirect_vreg.gather [hbm4b:s5+s3], $0x80, v4, vm0, $0xb8;
	[tilespmem:$0x18000] =	vst v63  }
0x66: {  	s18 =	simm.s32 $0x10800  }
0x67: {  	[tilespmem:s18], [sflag:$0x2] =	stream.indirect_vreg.gather [hbm4b:s8+s3], $0x80, v4, vm0, $0xb8;
	[tilespmem:$0x18000] =	vst v63  }
0x68: {  	s19 =	simm.s32 $0x11000  }
0x69: {  	[tilespmem:s19], [sflag:$0x2] =	stream.indirect_vreg.gather [hbm4b:s5+s3], $0x80, v3, vm0, $0xb8;
	[tilespmem:$0x18000] =	vst v63  }
0x6a: {  	s18 =	simm.s32 $0x11800  }
0x6b: {  	[tilespmem:s18], [sflag:$0x2] =	stream.indirect_vreg.gather [hbm4b:s8+s3], $0x80, v3, vm0, $0xb8;
	[tilespmem:$0x18000] =	vst v63  }
0x6c: {  	v3 =	vld [tilespmem:s16+$0x20];
	_ =	sdelay $0x4  }
0x6d: {  	v61 =	vshll.u32 v3, $0x2  }
0x6e: {  	v3 =	vand.u32 $0x7, v3;
	v4 =	vand.u32 $0xFFFFFFE0, v61  }
0x6f: {  	v3 =	vor.u32 v3, v4  }
0x70: {  	v4 =	vperm.xlane v3, v0;
	_ =	sdelay $0x1  }
0x71: {  	v4 =	vadd.s32 v1, v4;
	_ =	sdelay $0x1  }
0x72: {  	v3 =	vperm.xlane v3, v2;
	_ =	sdelay $0x1  }
0x73: {  	s19 =	simm.s32 $0x12000;
	v3 =	vadd.s32 v1, v3  }
0x74: {  	[tilespmem:s19], [sflag:$0x2] =	stream.indirect_vreg.gather [hbm4b:s5+s3], $0x80, v4, vm0, $0xb8;
	[tilespmem:$0x18000] =	vst v63  }
0x75: {  	s18 =	simm.s32 $0x12800  }
0x76: {  	[tilespmem:s18], [sflag:$0x2] =	stream.indirect_vreg.gather [hbm4b:s8+s3], $0x80, v4, vm0, $0xb8;
	[tilespmem:$0x18000] =	vst v63  }
0x77: {  	s19 =	simm.s32 $0x13000  }
0x78: {  	[tilespmem:s19], [sflag:$0x2] =	stream.indirect_vreg.gather [hbm4b:s5+s3], $0x80, v3, vm0, $0xb8;
	[tilespmem:$0x18000] =	vst v63  }
0x79: {  	s18 =	simm.s32 $0x13800  }
0x7a: {  	[tilespmem:s18], [sflag:$0x2] =	stream.indirect_vreg.gather [hbm4b:s8+s3], $0x80, v3, vm0, $0xb8;
	[tilespmem:$0x18000] =	vst v63  }
0x7b: {  	v3 =	vld [tilespmem:s16+$0x30];
	_ =	sdelay $0x4  }
0x7c: {  	v62 =	vshll.u32 v3, $0x2  }
0x7d: {  	v3 =	vand.u32 $0x7, v3;
	v4 =	vand.u32 $0xFFFFFFE0, v62  }
0x7e: {  	v3 =	vor.u32 v3, v4  }
0x7f: {  	v4 =	vperm.xlane v3, v0;
	_ =	sdelay $0x1  }
0x80: {  	v4 =	vadd.s32 v1, v4;
	_ =	sdelay $0x1  }
0x81: {  	v3 =	vperm.xlane v3, v2;
	_ =	sdelay $0x1  }
0x82: {  	s19 =	simm.s32 $0x14000;
	v3 =	vadd.s32 v1, v3  }
0x83: {  	[tilespmem:s19], [sflag:$0x2] =	stream.indirect_vreg.gather [hbm4b:s5+s3], $0x80, v4, vm0, $0xb8;
	[tilespmem:$0x18000] =	vst v63  }
0x84: {  	s18 =	simm.s32 $0x14800  }
0x85: {  	[tilespmem:s18], [sflag:$0x2] =	stream.indirect_vreg.gather [hbm4b:s8+s3], $0x80, v4, vm0, $0xb8;
	[tilespmem:$0x18000] =	vst v63  }
0x86: {  	s19 =	simm.s32 $0x15000  }
0x87: {  	[tilespmem:s19], [sflag:$0x2] =	stream.indirect_vreg.gather [hbm4b:s5+s3], $0x80, v3, vm0, $0xb8;
	[tilespmem:$0x18000] =	vst v63  }
0x88: {  	s18 =	simm.s32 $0x15800  }
0x89: {  	[tilespmem:s18], [sflag:$0x2] =	stream.indirect_vreg.gather [hbm4b:s8+s3], $0x80, v3, vm0, $0xb8;
	[tilespmem:$0x18000] =	vst v63  }
0x8a: {  	v3 =	vld [tilespmem:s16+$0x40];
	_ =	sdelay $0x4  }
0x8b: {  	v63 =	vshll.u32 v3, $0x2  }
0x8c: {  	v3 =	vand.u32 $0x7, v3;
	v4 =	vand.u32 $0xFFFFFFE0, v63  }
0x8d: {  	v3 =	vor.u32 v3, v4  }
0x8e: {  	v4 =	vperm.xlane v3, v0;
	_ =	sdelay $0x1  }
0x8f: {  	v4 =	vadd.s32 v1, v4;
	_ =	sdelay $0x2  }
0x90: {  	v3 =	vperm.xlane v3, v2  }
0x91: {  	s19 =	simm.s32 $0x16000  }
0x92: {  	v3 =	vadd.s32 v1, v3;
	[tilespmem:s19], [sflag:$0x2] =	stream.indirect_vreg.gather [hbm4b:s5+s3], $0x80, v4, vm0, $0xb8;
	[tilespmem:$0x18000] =	vst v63  }
0x93: {  	s17 =	simm.s32 $0x16800  }
0x94: {  	[tilespmem:s17], [sflag:$0x2] =	stream.indirect_vreg.gather [hbm4b:s8+s3], $0x80, v4, vm0, $0xb8;
	[tilespmem:$0x18000] =	vst v63  }
.Ltmp9:
0x95: {  	_ = 	snop;
	(pc) =	sbr.rel .LBB2_11-.Ltmp9, $4  }
0x96: {  	s18 =	simm.s32 $0x17000  }
0x97: {  	[tilespmem:s18], [sflag:$0x2] =	stream.indirect_vreg.gather [hbm4b:s5+s3], $0x80, v3, vm0, $0xb8;
	[tilespmem:$0x18000] =	vst v63  }
0x98: {  	s19 =	simm.s32 $0x17800  }
0x99: {  	[tilespmem:s19], [sflag:$0x2] =	stream.indirect_vreg.gather [hbm4b:s8+s3], $0x80, v3, vm0, $0xb8;
	[tilespmem:$0x18000] =	vst v63  }
.LBB2_9:
0x9a: {  	s18 =	simm.s32 @!p0 $0x3;
	s17 =	sand.u32 $0x1, s17  }
0x9b: {  	_ =	swait.ge @!p0 [sflag:s18], $0xA000;
	p1 =	seq.s32 s17, $0x1;
	s17 =	simm.s32 $0x2000  }
0x9c: {  	s16 =	sshll.u32 s16, $0x7;
	s17 =	simm.s32 @!p1 $0x0;
	[sflag:s18] =	ssyncset.done @!p0 $0x0  }
0x9d: {  	[sflag:s18] =	ssyncadd.s32 @!p0 $0xFFFF6000;
	s16 =	sor.u32 s16, s17  }
0x9e: {  	v3 =	vld [tilespmem:s16+$0x0];
	_ =	sdelay $0x4  }
0x9f: {  	v4 =	vshll.u32 v3, $0x2  }
0xa0: {  	v3 =	vand.u32 $0x7, v3;
	v4 =	vand.u32 $0xFFFFFFE0, v4  }
0xa1: {  	v3 =	vor.u32 v3, v4  }
0xa2: {  	v4 =	vperm.xlane v3, v0;
	_ =	sdelay $0x1  }
0xa3: {  	v4 =	vadd.s32 v1, v4;
	_ =	sdelay $0x1  }
0xa4: {  	v3 =	vperm.xlane v3, v2;
	_ =	sdelay $0x1  }
0xa5: {  	v3 =	vadd.s32 v1, v3  }
0xa6: {  	[tilespmem:s9], [sflag:$0x1] =	stream.indirect_vreg.gather [hbm4b:s5+s3], $0x80, v4, vm0, $0xb8;
	[tilespmem:$0x18000] =	vst v63  }
0xa7: {  	s19 =	simm.s32 $0x4800  }
0xa8: {  	[tilespmem:s19], [sflag:$0x1] =	stream.indirect_vreg.gather [hbm4b:s8+s3], $0x80, v4, vm0, $0xb8;
	[tilespmem:$0x18000] =	vst v63  }
0xa9: {  	s18 =	simm.s32 $0x5000  }
0xaa: {  	[tilespmem:s18], [sflag:$0x1] =	stream.indirect_vreg.gather [hbm4b:s5+s3], $0x80, v3, vm0, $0xb8;
	[tilespmem:$0x18000] =	vst v63  }
0xab: {  	s19 =	simm.s32 $0x5800  }
0xac: {  	[tilespmem:s19], [sflag:$0x1] =	stream.indirect_vreg.gather [hbm4b:s8+s3], $0x80, v3, vm0, $0xb8;
	[tilespmem:$0x18000] =	vst v63  }
0xad: {  	v3 =	vld [tilespmem:s16+$0x10];
	_ =	sdelay $0x4  }
0xae: {  	v60 =	vshll.u32 v3, $0x2  }
0xaf: {  	v3 =	vand.u32 $0x7, v3;
	v4 =	vand.u32 $0xFFFFFFE0, v60  }
0xb0: {  	v3 =	vor.u32 v3, v4  }
0xb1: {  	v4 =	vperm.xlane v3, v0;
	_ =	sdelay $0x1  }
0xb2: {  	v4 =	vadd.s32 v1, v4;
	_ =	sdelay $0x1  }
0xb3: {  	v3 =	vperm.xlane v3, v2;
	_ =	sdelay $0x1  }
0xb4: {  	s18 =	simm.s32 $0x6000;
	v3 =	vadd.s32 v1, v3  }
0xb5: {  	[tilespmem:s18], [sflag:$0x1] =	stream.indirect_vreg.gather [hbm4b:s5+s3], $0x80, v4, vm0, $0xb8;
	[tilespmem:$0x18000] =	vst v63  }
0xb6: {  	s19 =	simm.s32 $0x6800  }
0xb7: {  	[tilespmem:s19], [sflag:$0x1] =	stream.indirect_vreg.gather [hbm4b:s8+s3], $0x80, v4, vm0, $0xb8;
	[tilespmem:$0x18000] =	vst v63  }
0xb8: {  	s18 =	simm.s32 $0x7000  }
0xb9: {  	[tilespmem:s18], [sflag:$0x1] =	stream.indirect_vreg.gather [hbm4b:s5+s3], $0x80, v3, vm0, $0xb8;
	[tilespmem:$0x18000] =	vst v63  }
0xba: {  	s19 =	simm.s32 $0x7800  }
0xbb: {  	[tilespmem:s19], [sflag:$0x1] =	stream.indirect_vreg.gather [hbm4b:s8+s3], $0x80, v3, vm0, $0xb8;
	[tilespmem:$0x18000] =	vst v63  }
0xbc: {  	v3 =	vld [tilespmem:s16+$0x20];
	_ =	sdelay $0x4  }
0xbd: {  	v61 =	vshll.u32 v3, $0x2  }
0xbe: {  	v3 =	vand.u32 $0x7, v3;
	v4 =	vand.u32 $0xFFFFFFE0, v61  }
0xbf: {  	v3 =	vor.u32 v3, v4  }
0xc0: {  	v4 =	vperm.xlane v3, v0;
	_ =	sdelay $0x1  }
0xc1: {  	v4 =	vadd.s32 v1, v4;
	_ =	sdelay $0x1  }
0xc2: {  	v3 =	vperm.xlane v3, v2;
	_ =	sdelay $0x1  }
0xc3: {  	v3 =	vadd.s32 v1, v3  }
0xc4: {  	[tilespmem:s20], [sflag:$0x1] =	stream.indirect_vreg.gather [hbm4b:s5+s3], $0x80, v4, vm0, $0xb8;
	[tilespmem:$0x18000] =	vst v63  }
0xc5: {  	_ = 	snop  }
0xc6: {  	[tilespmem:s21], [sflag:$0x1] =	stream.indirect_vreg.gather [hbm4b:s8+s3], $0x80, v4, vm0, $0xb8;
	[tilespmem:$0x18000] =	vst v63  }
0xc7: {  	_ = 	snop  }
0xc8: {  	[tilespmem:s22], [sflag:$0x1] =	stream.indirect_vreg.gather [hbm4b:s5+s3], $0x80, v3, vm0, $0xb8;
	[tilespmem:$0x18000] =	vst v63  }
0xc9: {  	_ = 	snop  }
0xca: {  	[tilespmem:s23], [sflag:$0x1] =	stream.indirect_vreg.gather [hbm4b:s8+s3], $0x80, v3, vm0, $0xb8;
	[tilespmem:$0x18000] =	vst v63  }
0xcb: {  	v3 =	vld [tilespmem:s16+$0x30];
	_ =	sdelay $0x4  }
0xcc: {  	v62 =	vshll.u32 v3, $0x2  }
0xcd: {  	v3 =	vand.u32 $0x7, v3;
	v4 =	vand.u32 $0xFFFFFFE0, v62  }
0xce: {  	v3 =	vor.u32 v3, v4  }
0xcf: {  	v4 =	vperm.xlane v3, v0;
	_ =	sdelay $0x1  }
0xd0: {  	v4 =	vadd.s32 v1, v4;
	_ =	sdelay $0x1  }
0xd1: {  	v3 =	vperm.xlane v3, v2;
	_ =	sdelay $0x1  }
0xd2: {  	v3 =	vadd.s32 v1, v3  }
0xd3: {  	[tilespmem:s24], [sflag:$0x1] =	stream.indirect_vreg.gather [hbm4b:s5+s3], $0x80, v4, vm0, $0xb8;
	[tilespmem:$0x18000] =	vst v63  }
0xd4: {  	_ = 	snop  }
0xd5: {  	[tilespmem:s25], [sflag:$0x1] =	stream.indirect_vreg.gather [hbm4b:s8+s3], $0x80, v4, vm0, $0xb8;
	[tilespmem:$0x18000] =	vst v63  }
0xd6: {  	_ = 	snop  }
0xd7: {  	[tilespmem:s26], [sflag:$0x1] =	stream.indirect_vreg.gather [hbm4b:s5+s3], $0x80, v3, vm0, $0xb8;
	[tilespmem:$0x18000] =	vst v63  }
0xd8: {  	_ = 	snop  }
0xd9: {  	[tilespmem:s28], [sflag:$0x1] =	stream.indirect_vreg.gather [hbm4b:s8+s3], $0x80, v3, vm0, $0xb8;
	[tilespmem:$0x18000] =	vst v63  }
0xda: {  	v3 =	vld [tilespmem:s16+$0x40];
	_ =	sdelay $0x4  }
0xdb: {  	v63 =	vshll.u32 v3, $0x2  }
0xdc: {  	v3 =	vand.u32 $0x7, v3;
	v4 =	vand.u32 $0xFFFFFFE0, v63  }
0xdd: {  	v3 =	vor.u32 v3, v4  }
0xde: {  	v4 =	vperm.xlane v3, v0;
	_ =	sdelay $0x1  }
0xdf: {  	v4 =	vadd.s32 v1, v4;
	_ =	sdelay $0x2  }
0xe0: {  	v3 =	vperm.xlane v3, v2;
	_ =	sdelay $0x1  }
0xe1: {  	v3 =	vadd.s32 v1, v3;
	[tilespmem:s29], [sflag:$0x1] =	stream.indirect_vreg.gather [hbm4b:s5+s3], $0x80, v4, vm0, $0xb8;
	[tilespmem:$0x18000] =	vst v63  }
0xe2: {  	p0 =	seq.s32 s15, $0x0  }
0xe3: {  	[tilespmem:s30], [sflag:$0x1] =	stream.indirect_vreg.gather [hbm4b:s8+s3], $0x80, v4, vm0, $0xb8;
	[tilespmem:$0x18000] =	vst v63  }
.Ltmp10:
0xe4: {  	_ = 	snop;
	(pc) =	sbr.rel @p0 .LBB2_13-.Ltmp10, $4  }
0xe5: {  	_ = 	snop  }
0xe6: {  	[tilespmem:s31], [sflag:$0x1] =	stream.indirect_vreg.gather [hbm4b:s5+s3], $0x80, v3, vm0, $0xb8;
	[tilespmem:$0x18000] =	vst v63  }
0xe7: {  	_ = 	snop  }
0xe8: {  	[tilespmem:s0], [sflag:$0x1] =	stream.indirect_vreg.gather [hbm4b:s8+s3], $0x80, v3, vm0, $0xb8;
	[tilespmem:$0x18000] =	vst v63  }
.LBB2_11:
0xe9: {  	s18 =	sadd.s32 $0xFFFFFFFF, s15  }
0xea: {  	s16 =	sand.u32 $0x1, s18  }
0xeb: {  	p0 =	seq.s32 s16, $0x1  }
.Ltmp11:
0xec: {  	_ = 	snop;
	(pc) =	sbr.rel @p0 .LBB2_5-.Ltmp11, $1  }
0xed: {  	_ =	sdelay $0x3  }
.Ltmp12:
0xee: {  	(pc) =	sbr.rel .LBB2_13-.Ltmp12, $4  }
0xef: {  	_ =	swait.ge [sflag:s7], $0xA000  }
0xf0: {  	[sflag:s7] =	ssyncset.done $0x0  }
0xf1: {  	[sflag:s7] =	ssyncadd.s32 $0xFFFF6000  }
0xf2: {  	[hbm4b:s14+s3] =	stream.linear.scatter [tilespmem:s9], [sflag:$0x3], $0xA000, $0x38;
	[tilespmem:$0x18000] =	vst v63  }
.LBB2_15:
0xf3: {  	_ =	sfence.sel $0x180000  }
0xf4: {  	[bflag:$0x0] =	sbarrier.arrive $0xFFFF  }
0xf5: {  	_ =	strace $0x90000047  }
0xf6: {  	s0 =	stileid.u32;
	[bflag:$0x2] =	sbarrier.arrive $0xFFFF  }
0xf7: {  	p0 =	sne.s32 s0, $0x0;
	s0 =	rddreg [dreg:$0x2]  }
0xf8: {  	s0 =	sadd.s32 @!p0 $0x100000, s0  }
0xf9: {  	[sflag:s0] =	ssyncadd.tile.s32 @!p0 $0x1;
	_ =	shalt  }
.Lfunc_end2:
_tile_overlayer_lowered:
.L_overlay_start_2:
0xfa: {  	(tag) =	ssettag $0x2  }
0xfb: {  	s0 =	rddreg [dreg:$0x0];
	s2 =	stileid.u32  }
0xfc: {  	s1 =	rddreg [dreg:$0x1];
	p0 =	sne.s32 s2, $0x0  }
0xfd: {  	s3 =	rddreg [dreg:$0x2];
	[bflag:$0x3] =	sbarrier.arrive $0xFFFF;
	s2 =	simm.s32 @!p0 $0x1C06  }
0xfe: {  	[timem:s3], [sflag:s2] =	dma.local @!p0 [hbm:s0], s1  }
0xff: {  	s0 =	simm.s32 @!p0 $0x6  }
0x100: {  	_ =	swait.ge @!p0 [sflag:s0], s1  }
0x101: {  	s1 =	ssub.s32 @!p0 $0x0, s1;
	[sflag:s0] =	ssyncset.done @!p0 $0x0  }
0x102: {  	[sflag:s0] =	ssyncadd.s32 @!p0 s1  }
0x103: {  	[bflag:$0x3] =	sbarrier.arrive $0xFFFF  }
0x104: {  	_ =	shalt  }

</sc_bundles>
